<compile_context>
chip_gen: v7x
topology: tpu7x:2x2x1
jax: 0.10.2.dev20260603
libtpu: 0.0.44.dev20260713+nightly
codegen_flags: <defaults>
</compile_context>

<pallas_src>
import functools
import math

import jax
import jax.numpy as jnp
from jax import lax
from jax.experimental import pallas as pl
from jax.experimental.pallas import tpu as pltpu
from jax.experimental.pallas import tpu_sc as plsc

NUM_EMBED = 8192
EMBED_FEATS = 32
IN_FEATS = 192
COMMITMENT_COST = 0.25

NUM_TOKENS = 8192
TOK_BLOCK = 1024
N_TOK_BLOCKS = NUM_TOKENS // TOK_BLOCK
CODE_CHUNK = 2048
N_CODE_CHUNKS = NUM_EMBED // CODE_CHUNK

SC_CORES = 2
SC_SUBCORES = 16
SC_WORKERS = SC_CORES * SC_SUBCORES
TOK_PER_WORKER = NUM_TOKENS // SC_WORKERS


def _assign_body(xt_ref, wt_ref, b_ref, embt_ref, qidx_ref, dsum_ref):
    i = pl.program_id(0)
    flat = jnp.dot(xt_ref[...], wt_ref[...],
                   preferred_element_type=jnp.float32) + b_ref[...]
    flatn = flat * (-2.0)
    flat_t = flat.T
    f2 = jnp.sum(flat_t * flat_t, axis=0, keepdims=True).T
    iota = lax.broadcasted_iota(
        jnp.int32, (TOK_BLOCK, CODE_CHUNK), 1).astype(jnp.float32)

    def chunk(j, carry):
        bmin, barg = carry
        e = embt_ref[:, pl.ds(j * CODE_CHUNK, CODE_CHUNK)]
        e2 = jnp.sum(e * e, axis=0, keepdims=True)
        s2 = jnp.dot(flatn, e, preferred_element_type=jnp.float32)
        d2 = f2 + e2 + s2
        lmin = jnp.min(d2, axis=1, keepdims=True)
        larg = jnp.min(jnp.where(d2 <= lmin, iota, float(NUM_EMBED)), axis=1,
                       keepdims=True) + jnp.float32(j * CODE_CHUNK)
        take = lmin < bmin
        return jnp.where(take, lmin, bmin), jnp.where(take, larg, barg)

    init = (jnp.full((TOK_BLOCK, 1), jnp.inf, jnp.float32),
            jnp.zeros((TOK_BLOCK, 1), jnp.float32))
    bmin, barg = lax.fori_loop(0, N_CODE_CHUNKS, chunk, init)
    qidx_ref[...] = barg.astype(jnp.int32)

    @pl.when(i == 0)
    def _():
        dsum_ref[...] = jnp.zeros((1, 1), jnp.float32)

    dsum_ref[...] += jnp.sum(bmin, axis=(0, 1), keepdims=True)


def _assign(x_t, wt, b2, embt):
    return pl.pallas_call(
        _assign_body,
        grid=(N_TOK_BLOCKS,),
        in_specs=[
            pl.BlockSpec((TOK_BLOCK, IN_FEATS), lambda i: (i, 0)),
            pl.BlockSpec((IN_FEATS, EMBED_FEATS), lambda i: (0, 0)),
            pl.BlockSpec((1, EMBED_FEATS), lambda i: (0, 0)),
            pl.BlockSpec((EMBED_FEATS, NUM_EMBED), lambda i: (0, 0)),
        ],
        out_specs=[
            pl.BlockSpec((TOK_BLOCK, 1), lambda i: (i, 0)),
            pl.BlockSpec((1, 1), lambda i: (0, 0)),
        ],
        out_shape=[
            jax.ShapeDtypeStruct((NUM_TOKENS, 1), jnp.int32),
            jax.ShapeDtypeStruct((1, 1), jnp.float32),
        ],
    )(x_t, wt, b2, embt)


def _gather_hist_body(qidx2d_hbm, emb_hbm, zq_hbm, counts_hbm,
                      idx_a, idx_b, rows_v, hist_v, sem):
    wid = lax.axis_index("s") * SC_CORES + lax.axis_index("c")
    base = wid * TOK_PER_WORKER

    pltpu.sync_copy(qidx2d_hbm.at[2 * wid], idx_a)
    pltpu.sync_copy(qidx2d_hbm.at[2 * wid + 1], idx_b)

    cp0 = pltpu.async_copy(emb_hbm.at[idx_a], rows_v.at[pl.ds(0, 128)], sem)
    cp1 = pltpu.async_copy(emb_hbm.at[idx_b], rows_v.at[pl.ds(128, 128)], sem)
    cp0.wait()
    cp1.wait()
    pltpu.sync_copy(rows_v, zq_hbm.at[pl.ds(base, TOK_PER_WORKER)])

    def zero(k, c):
        hist_v[pl.ds(pl.multiple_of(k * 16, 16), 16)] = jnp.zeros(
            (16,), jnp.float32)
        return c

    lax.fori_loop(0, NUM_EMBED // 16, zero, 0)
    ones = jnp.ones((16,), jnp.float32)
    for half in (idx_a, idx_b):
        for k in range(128 // 16):
            v = half[pl.ds(k * 16, 16)]
            plsc.addupdate_scatter(hist_v, [v], ones)
    pltpu.sync_copy(hist_v, counts_hbm.at[wid])


def _gather_hist(qidx2d, embed):
    mesh = plsc.VectorSubcoreMesh(core_axis_name="c", subcore_axis_name="s")
    run = functools.partial(
        pl.kernel,
        out_type=(
            jax.ShapeDtypeStruct((NUM_TOKENS, EMBED_FEATS), jnp.float32),
            jax.ShapeDtypeStruct((SC_WORKERS, NUM_EMBED), jnp.float32),
        ),
        mesh=mesh,
        scratch_types=[
            pltpu.VMEM((128,), jnp.int32),
            pltpu.VMEM((128,), jnp.int32),
            pltpu.VMEM((TOK_PER_WORKER, EMBED_FEATS), jnp.float32),
            pltpu.VMEM((NUM_EMBED,), jnp.float32),
            pltpu.SemaphoreType.DMA,
        ],
        compiler_params=pltpu.CompilerParams(needs_layout_passes=False,
                                             use_tc_tiling_on_sc=False),
    )(_gather_hist_body)
    return run(qidx2d, embed)


def _finalize_body(counts_ref, dsum_ref, loss_ref, lp_ref):
    counts = jnp.sum(counts_ref[...], axis=0, keepdims=True)
    probs = counts * (1.0 / NUM_TOKENS)
    lp_ref[...] = -jnp.sum(probs * jnp.log(probs + 1e-10), axis=(0, 1),
                           keepdims=True)
    loss_ref[...] = dsum_ref[...] * (
        COMMITMENT_COST / (NUM_TOKENS * EMBED_FEATS))


def _finalize(counts, dsum):
    return pl.pallas_call(
        _finalize_body,
        out_shape=[
            jax.ShapeDtypeStruct((1, 1), jnp.float32),
            jax.ShapeDtypeStruct((1, 1), jnp.float32),
        ],
    )(counts, dsum)


def kernel(x, W_proj, b_proj, embed):
    B = x.shape[0]
    x_t = x.transpose(0, 3, 2, 1).reshape(NUM_TOKENS, IN_FEATS)
    wt = W_proj.T
    b2 = b_proj.reshape(1, EMBED_FEATS)
    qidx, dsum = _assign(x_t, wt, b2, embed.T)
    zq, counts = _gather_hist(qidx.reshape(64, 128), embed)
    loss2, lp2 = _finalize(counts, dsum)
    z_q_out = zq.reshape(B, 32, 32, EMBED_FEATS).transpose(0, 3, 2, 1)
    kldiv_r = jnp.full((B, 1), math.log(NUM_EMBED) * (NUM_TOKENS / B),
                       jnp.float32)
    return z_q_out, loss2[0, 0], kldiv_r, lp2[0, 0]

# --- scband reference (transcript-rebuilt; emitter-appended) ---
"""Pipeline reference for scband-emakmeans-vector-quantizer-58686433133154 (READ-ONLY COPY).

The authoritative reference and input builder live on the scoring server;
editing this copy changes nothing except your own understanding.
"""

import jax, jax.numpy as jnp
import numpy as np
import math

NUM_EMBED = 8192
EMBED_FEATS = 32
IN_FEATS = 192
COMMITMENT_COST = 0.25


def setup_inputs(seed: int = 0) -> dict:
    key = jax.random.key(seed)
    k1, k2, k3 = jax.random.split(key, 3)
    x = jax.random.normal(k1, (8, IN_FEATS, 32, 32), dtype=jnp.float32)
    # 1x1 Conv2d projection params (kernel_size=1 -> equivalent to [out, in] matmul)
    W_proj = jax.random.normal(k2, (EMBED_FEATS, IN_FEATS), dtype=jnp.float32) / np.sqrt(IN_FEATS)
    b_proj = jnp.zeros((EMBED_FEATS,), dtype=jnp.float32)
    # codebook buffer, init normal std=1.0 as in the torch module
    embed = jax.random.normal(k3, (NUM_EMBED, EMBED_FEATS), dtype=jnp.float32)
    return {"x": x, "W_proj": W_proj, "b_proj": b_proj, "embed": embed}


def reference(x, W_proj, b_proj, embed):
    # project: 1x1 conv == pointwise linear over channel dim
    h = jnp.einsum('bchw,oc->bohw', x, W_proj) + b_proj[None, :, None, None]
    # inputs.transpose(1, -1): swap channel axis with last axis -> [B, W, H, C]
    inputs = jnp.swapaxes(h, 1, -1)
    B = inputs.shape[0]
    flat = inputs.reshape(-1, EMBED_FEATS)
    # squared L2 distances to all codes
    d2 = (jnp.sum(flat ** 2, axis=1, keepdims=True)
          + jnp.sum(embed ** 2, axis=1)
          - 2.0 * flat @ embed.T)
    q_idx = jnp.argmin(d2, axis=1)
    # r: one-hot assignment matrix [num_tokens, num_embed] (scatter of ones)
    r = jax.nn.one_hot(q_idx, NUM_EMBED, dtype=flat.dtype)
    z_q = (r @ embed).reshape(inputs.shape)
    commitment_loss = jnp.mean((jax.lax.stop_gradient(z_q) - inputs) ** 2)
    loss = COMMITMENT_COST * commitment_loss
    # straight-through estimator
    z_q_st = inputs + jax.lax.stop_gradient(z_q - inputs)
    probs = jnp.mean(r, axis=0)
    log_perplexity = -jnp.sum(probs * jnp.log(probs + 1e-10))
    num_spatial_positions = r.shape[0] / B
    kldiv_r = math.log(NUM_EMBED) * num_spatial_positions * jnp.ones((B, 1), dtype=flat.dtype)
    z_q_out = jnp.swapaxes(z_q_st, 1, -1)
    return (z_q_out, loss, kldiv_r, log_perplexity)

if __name__ == "__main__":
    import jax
    _d = setup_inputs()
    print(jax.jit(kernel)(*tuple(_d.values())))

</pallas_src>

<mosaic_0001>
#map = affine_map<(d0, d1) -> (0, 0)>
module attributes {stable_mosaic.version = 14 : i64} {
  func.func @_gather_hist_body(%arg0: i32, %arg1: i32, %arg2: memref<64x128xi32, #tpu.memory_space<hbm>>, %arg3: memref<8192x32xf32, #tpu.memory_space<hbm>>, %arg4: memref<8192x32xf32, #tpu.memory_space<hbm>>, %arg5: memref<32x8192xf32, #tpu.memory_space<hbm>>, %arg6: memref<128xi32, #tpu.memory_space<vmem>>, %arg7: memref<128xi32, #tpu.memory_space<vmem>>, %arg8: memref<256x32xf32, #tpu.memory_space<vmem>>, %arg9: memref<8192xf32, #tpu.memory_space<vmem>>, %arg10: memref<!tpu.dma_semaphore, #tpu.memory_space<semaphore_mem>>) attributes {dimension_semantics = [#tpu.dimension_semantics<core_parallel>, #tpu.dimension_semantics<subcore_parallel>], iteration_bounds = array<i64: 2, 16>, scalar_prefetch = 0 : i64, scratch_operands = 5 : i64, tpu.core_type = #tpu.core_type<sc_vector_subcore>, window_params = [{transform_indices = #map}, {transform_indices = #map}, {transform_indices = #map}, {transform_indices = #map}]} {
    %mul3A = arith.constant 2 : i32
    %mul3A_0 = arith.muli %arg1, %mul3A : i32
    %add3A = arith.addi %mul3A_0, %arg0 : i32
    %mul3A_1 = arith.constant 256 : i32
    %mul3A_2 = arith.muli %add3A, %mul3A_1 : i32
    %mul3A_3 = arith.constant 2 : i32
    %mul3A_4 = arith.muli %mul3A_3, %add3A : i32
    "tpu.region"() ({
      %run_scoped3A = tpu.sem_alloc : memref<!tpu.dma_semaphore, #tpu.memory_space<semaphore_mem>>
      %dma_start3A_68 = arith.constant 0 : i32
      %dma_start3A_69 = tpu.memref_slice %arg2[%mul3A_4, %dma_start3A_68] : memref<64x128xi32, #tpu.memory_space<hbm>> -> memref<1x128xi32, #tpu.memory_space<hbm>>
      %dma_start3A_70 = tpu.memref_squeeze %dma_start3A_69 : memref<1x128xi32, #tpu.memory_space<hbm>> -> memref<128xi32, #tpu.memory_space<hbm>>
      %dma_start3A_71 = arith.constant 0 : i32
      %dma_start3A_72 = tpu.memref_slice %arg2[%mul3A_4, %dma_start3A_71] : memref<64x128xi32, #tpu.memory_space<hbm>> -> memref<1x128xi32, #tpu.memory_space<hbm>>
      %dma_start3A_73 = tpu.memref_squeeze %dma_start3A_72 : memref<1x128xi32, #tpu.memory_space<hbm>> -> memref<128xi32, #tpu.memory_space<hbm>>
      tpu.enqueue_dma source(%dma_start3A_73 : memref<128xi32, #tpu.memory_space<hbm>>) target(%arg6 : memref<128xi32, #tpu.memory_space<vmem>>) target_semaphore(%run_scoped3A : memref<!tpu.dma_semaphore, #tpu.memory_space<semaphore_mem>>)
      %dma_wait3A_74 = arith.constant 0 : i32
      %dma_wait3A_75 = tpu.memref_slice %arg2[%mul3A_4, %dma_wait3A_74] : memref<64x128xi32, #tpu.memory_space<hbm>> -> memref<1x128xi32, #tpu.memory_space<hbm>>
      %dma_wait3A_76 = tpu.memref_squeeze %dma_wait3A_75 : memref<1x128xi32, #tpu.memory_space<hbm>> -> memref<128xi32, #tpu.memory_space<hbm>>
      %dma_wait3A_77 = arith.constant 0 : i32
      %dma_wait3A_78 = tpu.memref_slice %arg2[%mul3A_4, %dma_wait3A_77] : memref<64x128xi32, #tpu.memory_space<hbm>> -> memref<1x128xi32, #tpu.memory_space<hbm>>
      %dma_wait3A_79 = tpu.memref_squeeze %dma_wait3A_78 : memref<1x128xi32, #tpu.memory_space<hbm>> -> memref<128xi32, #tpu.memory_space<hbm>>
      tpu.wait_dma2 semaphore(%run_scoped3A : memref<!tpu.dma_semaphore, #tpu.memory_space<semaphore_mem>>) src(%dma_wait3A_79 : memref<128xi32, #tpu.memory_space<hbm>>) dst(%arg6 : memref<128xi32, #tpu.memory_space<vmem>>)
      tpu.yield
    }) : () -> ()
    %mul3A_5 = arith.constant 2 : i32
    %mul3A_6 = arith.muli %mul3A_5, %add3A : i32
    %add3A_7 = arith.constant 1 : i32
    %add3A_8 = arith.addi %mul3A_6, %add3A_7 : i32
    "tpu.region"() ({
      %run_scoped3A = tpu.sem_alloc : memref<!tpu.dma_semaphore, #tpu.memory_space<semaphore_mem>>
      %dma_start3A_68 = arith.constant 0 : i32
      %dma_start3A_69 = tpu.memref_slice %arg2[%add3A_8, %dma_start3A_68] : memref<64x128xi32, #tpu.memory_space<hbm>> -> memref<1x128xi32, #tpu.memory_space<hbm>>
      %dma_start3A_70 = tpu.memref_squeeze %dma_start3A_69 : memref<1x128xi32, #tpu.memory_space<hbm>> -> memref<128xi32, #tpu.memory_space<hbm>>
      %dma_start3A_71 = arith.constant 0 : i32
      %dma_start3A_72 = tpu.memref_slice %arg2[%add3A_8, %dma_start3A_71] : memref<64x128xi32, #tpu.memory_space<hbm>> -> memref<1x128xi32, #tpu.memory_space<hbm>>
      %dma_start3A_73 = tpu.memref_squeeze %dma_start3A_72 : memref<1x128xi32, #tpu.memory_space<hbm>> -> memref<128xi32, #tpu.memory_space<hbm>>
      tpu.enqueue_dma source(%dma_start3A_73 : memref<128xi32, #tpu.memory_space<hbm>>) target(%arg7 : memref<128xi32, #tpu.memory_space<vmem>>) target_semaphore(%run_scoped3A : memref<!tpu.dma_semaphore, #tpu.memory_space<semaphore_mem>>)
      %dma_wait3A_74 = arith.constant 0 : i32
      %dma_wait3A_75 = tpu.memref_slice %arg2[%add3A_8, %dma_wait3A_74] : memref<64x128xi32, #tpu.memory_space<hbm>> -> memref<1x128xi32, #tpu.memory_space<hbm>>
      %dma_wait3A_76 = tpu.memref_squeeze %dma_wait3A_75 : memref<1x128xi32, #tpu.memory_space<hbm>> -> memref<128xi32, #tpu.memory_space<hbm>>
      %dma_wait3A_77 = arith.constant 0 : i32
      %dma_wait3A_78 = tpu.memref_slice %arg2[%add3A_8, %dma_wait3A_77] : memref<64x128xi32, #tpu.memory_space<hbm>> -> memref<1x128xi32, #tpu.memory_space<hbm>>
      %dma_wait3A_79 = tpu.memref_squeeze %dma_wait3A_78 : memref<1x128xi32, #tpu.memory_space<hbm>> -> memref<128xi32, #tpu.memory_space<hbm>>
      tpu.wait_dma2 semaphore(%run_scoped3A : memref<!tpu.dma_semaphore, #tpu.memory_space<semaphore_mem>>) src(%dma_wait3A_79 : memref<128xi32, #tpu.memory_space<hbm>>) dst(%arg7 : memref<128xi32, #tpu.memory_space<vmem>>)
      tpu.yield
    }) : () -> ()
    %dma_start3A = arith.constant 0 : i32
    %dma_start3A_9 = arith.constant 0 : i32
    %dma_start3A_10 = tpu.memref_slice %arg8[%dma_start3A, %dma_start3A_9] : memref<256x32xf32, #tpu.memory_space<vmem>> -> memref<128x32xf32, #tpu.memory_space<vmem>>
    %dma_start3A_11 = arith.constant 0 : i32
    %dma_start3A_12 = arith.constant 0 : i32
    %dma_start3A_13 = tpu.memref_slice %arg3[%dma_start3A_11, %dma_start3A_12] : memref<8192x32xf32, #tpu.memory_space<hbm>> -> memref<8192x32xf32, #tpu.memory_space<hbm>>
    tpu.enqueue_indirect_dma source(%dma_start3A_13 : memref<8192x32xf32, #tpu.memory_space<hbm>>) target(%dma_start3A_10 : memref<128x32xf32, #tpu.memory_space<vmem>>) offsets(%arg6 : memref<128xi32, #tpu.memory_space<vmem>>) semaphore(%arg10 : memref<!tpu.dma_semaphore, #tpu.memory_space<semaphore_mem>>)
    %dma_start3A_14 = arith.constant 128 : i32
    %dma_start3A_15 = arith.constant 0 : i32
    %dma_start3A_16 = tpu.memref_slice %arg8[%dma_start3A_14, %dma_start3A_15] : memref<256x32xf32, #tpu.memory_space<vmem>> -> memref<128x32xf32, #tpu.memory_space<vmem>>
    %dma_start3A_17 = arith.constant 0 : i32
    %dma_start3A_18 = arith.constant 0 : i32
    %dma_start3A_19 = tpu.memref_slice %arg3[%dma_start3A_17, %dma_start3A_18] : memref<8192x32xf32, #tpu.memory_space<hbm>> -> memref<8192x32xf32, #tpu.memory_space<hbm>>
    tpu.enqueue_indirect_dma source(%dma_start3A_19 : memref<8192x32xf32, #tpu.memory_space<hbm>>) target(%dma_start3A_16 : memref<128x32xf32, #tpu.memory_space<vmem>>) offsets(%arg7 : memref<128xi32, #tpu.memory_space<vmem>>) semaphore(%arg10 : memref<!tpu.dma_semaphore, #tpu.memory_space<semaphore_mem>>)
    %dma_wait3A = arith.constant 0 : i32
    %dma_wait3A_20 = arith.constant 0 : i32
    %dma_wait3A_21 = tpu.memref_slice %arg8[%dma_wait3A, %dma_wait3A_20] : memref<256x32xf32, #tpu.memory_space<vmem>> -> memref<128x32xf32, #tpu.memory_space<vmem>>
    %dma_wait3A_22 = arith.constant 0 : i32
    %dma_wait3A_23 = arith.constant 0 : i32
    %dma_wait3A_24 = tpu.memref_slice %arg3[%dma_wait3A_22, %dma_wait3A_23] : memref<8192x32xf32, #tpu.memory_space<hbm>> -> memref<8192x32xf32, #tpu.memory_space<hbm>>
    tpu.wait_indirect_dma semaphore(%arg10 : memref<!tpu.dma_semaphore, #tpu.memory_space<semaphore_mem>>) src(%dma_wait3A_24 : memref<8192x32xf32, #tpu.memory_space<hbm>>) dst(%dma_wait3A_21 : memref<128x32xf32, #tpu.memory_space<vmem>>)
    %dma_wait3A_25 = arith.constant 128 : i32
    %dma_wait3A_26 = arith.constant 0 : i32
    %dma_wait3A_27 = tpu.memref_slice %arg8[%dma_wait3A_25, %dma_wait3A_26] : memref<256x32xf32, #tpu.memory_space<vmem>> -> memref<128x32xf32, #tpu.memory_space<vmem>>
    %dma_wait3A_28 = arith.constant 0 : i32
    %dma_wait3A_29 = arith.constant 0 : i32
    %dma_wait3A_30 = tpu.memref_slice %arg3[%dma_wait3A_28, %dma_wait3A_29] : memref<8192x32xf32, #tpu.memory_space<hbm>> -> memref<8192x32xf32, #tpu.memory_space<hbm>>
    tpu.wait_indirect_dma semaphore(%arg10 : memref<!tpu.dma_semaphore, #tpu.memory_space<semaphore_mem>>) src(%dma_wait3A_30 : memref<8192x32xf32, #tpu.memory_space<hbm>>) dst(%dma_wait3A_27 : memref<128x32xf32, #tpu.memory_space<vmem>>)
    "tpu.region"() ({
      %run_scoped3A = tpu.sem_alloc : memref<!tpu.dma_semaphore, #tpu.memory_space<semaphore_mem>>
      %dma_start3A_68 = arith.constant 0 : i32
      %dma_start3A_69 = tpu.memref_slice %arg4[%mul3A_2, %dma_start3A_68] : memref<8192x32xf32, #tpu.memory_space<hbm>> -> memref<256x32xf32, #tpu.memory_space<hbm>>
      %dma_start3A_70 = arith.constant 0 : i32
      %dma_start3A_71 = tpu.memref_slice %arg4[%mul3A_2, %dma_start3A_70] : memref<8192x32xf32, #tpu.memory_space<hbm>> -> memref<256x32xf32, #tpu.memory_space<hbm>>
      tpu.enqueue_dma source(%arg8 : memref<256x32xf32, #tpu.memory_space<vmem>>) target(%dma_start3A_71 : memref<256x32xf32, #tpu.memory_space<hbm>>) target_semaphore(%run_scoped3A : memref<!tpu.dma_semaphore, #tpu.memory_space<semaphore_mem>>)
      %dma_wait3A_72 = arith.constant 0 : i32
      %dma_wait3A_73 = tpu.memref_slice %arg4[%mul3A_2, %dma_wait3A_72] : memref<8192x32xf32, #tpu.memory_space<hbm>> -> memref<256x32xf32, #tpu.memory_space<hbm>>
      %dma_wait3A_74 = arith.constant 0 : i32
      %dma_wait3A_75 = tpu.memref_slice %arg4[%mul3A_2, %dma_wait3A_74] : memref<8192x32xf32, #tpu.memory_space<hbm>> -> memref<256x32xf32, #tpu.memory_space<hbm>>
      tpu.wait_dma2 semaphore(%run_scoped3A : memref<!tpu.dma_semaphore, #tpu.memory_space<semaphore_mem>>) src(%arg8 : memref<256x32xf32, #tpu.memory_space<vmem>>) dst(%dma_wait3A_75 : memref<256x32xf32, #tpu.memory_space<hbm>>)
      tpu.yield
    }) : () -> ()
    %scan3A = arith.constant 0 : i32
    %scan3A_31 = arith.constant 0 : i32
    %scan3A_32 = arith.constant 512 : i32
    %scan3A_33 = arith.addi %scan3A_31, %scan3A_32 : i32
    %scan3A_34 = arith.constant 1 : i32
    scf.for %scan3A_68 = %scan3A_31 to %scan3A_33 step %scan3A_34  : i32 {
      %broadcast_in_dim3A_69 = arith.constant 0.000000e+00 : f32
      %broadcast_in_dim3A_70 = vector.broadcast %broadcast_in_dim3A_69 : f32 to vector<16xf32>
      %mul3A_71 = arith.constant 16 : i32
      %mul3A_72 = arith.muli %scan3A_68, %mul3A_71 : i32
      %multiple_of3A = tpu.assume_multiple %mul3A_72, 16 : i32
      %swap3A = arith.index_cast %multiple_of3A : i32 to index
      %swap3A_73 = tpu.vector_load %arg9[%swap3A] {strides = array<i32>} : memref<8192xf32, #tpu.memory_space<vmem>>, vector<16xf32>,
      tpu.vector_store %arg9[%swap3A], %broadcast_in_dim3A_70 {strides = array<i32>} : memref<8192xf32, #tpu.memory_space<vmem>>, vector<16xf32>,
    }
    %scan3A_35 = arith.constant 512 : i32
    %broadcast_in_dim3A = arith.constant 1.000000e+00 : f32
    %broadcast_in_dim3A_36 = vector.broadcast %broadcast_in_dim3A : f32 to vector<16xf32>
    %get3A = arith.constant 0 : index
    %get3A_37 = tpu.vector_load %arg6[%get3A] {strides = array<i32>} : memref<128xi32, #tpu.memory_space<vmem>>, vector<16xi32>,
    tpu.vector_store_idx %arg9[%get3A_37], %broadcast_in_dim3A_36 {add = true} : memref<8192xf32, #tpu.memory_space<vmem>>[vector<16xi32>], vector<16xf32>,
    %get3A_38 = arith.constant 16 : index
    %get3A_39 = tpu.vector_load %arg6[%get3A_38] {strides = array<i32>} : memref<128xi32, #tpu.memory_space<vmem>>, vector<16xi32>,
    tpu.vector_store_idx %arg9[%get3A_39], %broadcast_in_dim3A_36 {add = true} : memref<8192xf32, #tpu.memory_space<vmem>>[vector<16xi32>], vector<16xf32>,
    %get3A_40 = arith.constant 32 : index
    %get3A_41 = tpu.vector_load %arg6[%get3A_40] {strides = array<i32>} : memref<128xi32, #tpu.memory_space<vmem>>, vector<16xi32>,
    tpu.vector_store_idx %arg9[%get3A_41], %broadcast_in_dim3A_36 {add = true} : memref<8192xf32, #tpu.memory_space<vmem>>[vector<16xi32>], vector<16xf32>,
    %get3A_42 = arith.constant 48 : index
    %get3A_43 = tpu.vector_load %arg6[%get3A_42] {strides = array<i32>} : memref<128xi32, #tpu.memory_space<vmem>>, vector<16xi32>,
    tpu.vector_store_idx %arg9[%get3A_43], %broadcast_in_dim3A_36 {add = true} : memref<8192xf32, #tpu.memory_space<vmem>>[vector<16xi32>], vector<16xf32>,
    %get3A_44 = arith.constant 64 : index
    %get3A_45 = tpu.vector_load %arg6[%get3A_44] {strides = array<i32>} : memref<128xi32, #tpu.memory_space<vmem>>, vector<16xi32>,
    tpu.vector_store_idx %arg9[%get3A_45], %broadcast_in_dim3A_36 {add = true} : memref<8192xf32, #tpu.memory_space<vmem>>[vector<16xi32>], vector<16xf32>,
    %get3A_46 = arith.constant 80 : index
    %get3A_47 = tpu.vector_load %arg6[%get3A_46] {strides = array<i32>} : memref<128xi32, #tpu.memory_space<vmem>>, vector<16xi32>,
    tpu.vector_store_idx %arg9[%get3A_47], %broadcast_in_dim3A_36 {add = true} : memref<8192xf32, #tpu.memory_space<vmem>>[vector<16xi32>], vector<16xf32>,
    %get3A_48 = arith.constant 96 : index
    %get3A_49 = tpu.vector_load %arg6[%get3A_48] {strides = array<i32>} : memref<128xi32, #tpu.memory_space<vmem>>, vector<16xi32>,
    tpu.vector_store_idx %arg9[%get3A_49], %broadcast_in_dim3A_36 {add = true} : memref<8192xf32, #tpu.memory_space<vmem>>[vector<16xi32>], vector<16xf32>,
    %get3A_50 = arith.constant 112 : index
    %get3A_51 = tpu.vector_load %arg6[%get3A_50] {strides = array<i32>} : memref<128xi32, #tpu.memory_space<vmem>>, vector<16xi32>,
    tpu.vector_store_idx %arg9[%get3A_51], %broadcast_in_dim3A_36 {add = true} : memref<8192xf32, #tpu.memory_space<vmem>>[vector<16xi32>], vector<16xf32>,
    %get3A_52 = arith.constant 0 : index
    %get3A_53 = tpu.vector_load %arg7[%get3A_52] {strides = array<i32>} : memref<128xi32, #tpu.memory_space<vmem>>, vector<16xi32>,
    tpu.vector_store_idx %arg9[%get3A_53], %broadcast_in_dim3A_36 {add = true} : memref<8192xf32, #tpu.memory_space<vmem>>[vector<16xi32>], vector<16xf32>,
    %get3A_54 = arith.constant 16 : index
    %get3A_55 = tpu.vector_load %arg7[%get3A_54] {strides = array<i32>} : memref<128xi32, #tpu.memory_space<vmem>>, vector<16xi32>,
    tpu.vector_store_idx %arg9[%get3A_55], %broadcast_in_dim3A_36 {add = true} : memref<8192xf32, #tpu.memory_space<vmem>>[vector<16xi32>], vector<16xf32>,
    %get3A_56 = arith.constant 32 : index
    %get3A_57 = tpu.vector_load %arg7[%get3A_56] {strides = array<i32>} : memref<128xi32, #tpu.memory_space<vmem>>, vector<16xi32>,
    tpu.vector_store_idx %arg9[%get3A_57], %broadcast_in_dim3A_36 {add = true} : memref<8192xf32, #tpu.memory_space<vmem>>[vector<16xi32>], vector<16xf32>,
    %get3A_58 = arith.constant 48 : index
    %get3A_59 = tpu.vector_load %arg7[%get3A_58] {strides = array<i32>} : memref<128xi32, #tpu.memory_space<vmem>>, vector<16xi32>,
    tpu.vector_store_idx %arg9[%get3A_59], %broadcast_in_dim3A_36 {add = true} : memref<8192xf32, #tpu.memory_space<vmem>>[vector<16xi32>], vector<16xf32>,
    %get3A_60 = arith.constant 64 : index
    %get3A_61 = tpu.vector_load %arg7[%get3A_60] {strides = array<i32>} : memref<128xi32, #tpu.memory_space<vmem>>, vector<16xi32>,
    tpu.vector_store_idx %arg9[%get3A_61], %broadcast_in_dim3A_36 {add = true} : memref<8192xf32, #tpu.memory_space<vmem>>[vector<16xi32>], vector<16xf32>,
    %get3A_62 = arith.constant 80 : index
    %get3A_63 = tpu.vector_load %arg7[%get3A_62] {strides = array<i32>} : memref<128xi32, #tpu.memory_space<vmem>>, vector<16xi32>,
    tpu.vector_store_idx %arg9[%get3A_63], %broadcast_in_dim3A_36 {add = true} : memref<8192xf32, #tpu.memory_space<vmem>>[vector<16xi32>], vector<16xf32>,
    %get3A_64 = arith.constant 96 : index
    %get3A_65 = tpu.vector_load %arg7[%get3A_64] {strides = array<i32>} : memref<128xi32, #tpu.memory_space<vmem>>, vector<16xi32>,
    tpu.vector_store_idx %arg9[%get3A_65], %broadcast_in_dim3A_36 {add = true} : memref<8192xf32, #tpu.memory_space<vmem>>[vector<16xi32>], vector<16xf32>,
    %get3A_66 = arith.constant 112 : index
    %get3A_67 = tpu.vector_load %arg7[%get3A_66] {strides = array<i32>} : memref<128xi32, #tpu.memory_space<vmem>>, vector<16xi32>,
    tpu.vector_store_idx %arg9[%get3A_67], %broadcast_in_dim3A_36 {add = true} : memref<8192xf32, #tpu.memory_space<vmem>>[vector<16xi32>], vector<16xf32>,
    "tpu.region"() ({
      %run_scoped3A = tpu.sem_alloc : memref<!tpu.dma_semaphore, #tpu.memory_space<semaphore_mem>>
      %dma_start3A_68 = arith.constant 0 : i32
      %dma_start3A_69 = tpu.memref_slice %arg5[%add3A, %dma_start3A_68] : memref<32x8192xf32, #tpu.memory_space<hbm>> -> memref<1x8192xf32, #tpu.memory_space<hbm>>
      %dma_start3A_70 = tpu.memref_squeeze %dma_start3A_69 : memref<1x8192xf32, #tpu.memory_space<hbm>> -> memref<8192xf32, #tpu.memory_space<hbm>>
      %dma_start3A_71 = arith.constant 0 : i32
      %dma_start3A_72 = tpu.memref_slice %arg5[%add3A, %dma_start3A_71] : memref<32x8192xf32, #tpu.memory_space<hbm>> -> memref<1x8192xf32, #tpu.memory_space<hbm>>
      %dma_start3A_73 = tpu.memref_squeeze %dma_start3A_72 : memref<1x8192xf32, #tpu.memory_space<hbm>> -> memref<8192xf32, #tpu.memory_space<hbm>>
      tpu.enqueue_dma source(%arg9 : memref<8192xf32, #tpu.memory_space<vmem>>) target(%dma_start3A_73 : memref<8192xf32, #tpu.memory_space<hbm>>) target_semaphore(%run_scoped3A : memref<!tpu.dma_semaphore, #tpu.memory_space<semaphore_mem>>)
      %dma_wait3A_74 = arith.constant 0 : i32
      %dma_wait3A_75 = tpu.memref_slice %arg5[%add3A, %dma_wait3A_74] : memref<32x8192xf32, #tpu.memory_space<hbm>> -> memref<1x8192xf32, #tpu.memory_space<hbm>>
      %dma_wait3A_76 = tpu.memref_squeeze %dma_wait3A_75 : memref<1x8192xf32, #tpu.memory_space<hbm>> -> memref<8192xf32, #tpu.memory_space<hbm>>
      %dma_wait3A_77 = arith.constant 0 : i32
      %dma_wait3A_78 = tpu.memref_slice %arg5[%add3A, %dma_wait3A_77] : memref<32x8192xf32, #tpu.memory_space<hbm>> -> memref<1x8192xf32, #tpu.memory_space<hbm>>
      %dma_wait3A_79 = tpu.memref_squeeze %dma_wait3A_78 : memref<1x8192xf32, #tpu.memory_space<hbm>> -> memref<8192xf32, #tpu.memory_space<hbm>>
      tpu.wait_dma2 semaphore(%run_scoped3A : memref<!tpu.dma_semaphore, #tpu.memory_space<semaphore_mem>>) src(%arg9 : memref<8192xf32, #tpu.memory_space<vmem>>) dst(%dma_wait3A_79 : memref<8192xf32, #tpu.memory_space<hbm>>)
      tpu.yield
    }) : () -> ()
    return
  }
}

module attributes {stable_mosaic.version = 14 : i64} {
  func.func @_assign_body(%arg0: i32, %arg1: memref<1024x192xf32, #tpu.memory_space<vmem>>, %arg2: memref<192x32xf32, #tpu.memory_space<vmem>>, %arg3: memref<1x32xf32, #tpu.memory_space<vmem>>, %arg4: memref<32x8192xf32, #tpu.memory_space<vmem>>, %arg5: memref<1024x1xi32, #tpu.memory_space<vmem>>, %arg6: memref<1x1xf32, #tpu.memory_space<vmem>>) attributes {dimension_semantics = [#tpu.dimension_semantics<arbitrary>], iteration_bounds = array<i64: 8>, scalar_prefetch = 0 : i64, scratch_operands = 0 : i64, tpu.core_type = #tpu.core_type<tc>, window_params = [{transform_indices = @transform_0, window_bounds = array<i64: 1024, 192>}, {pipeline_mode = #tpu.pipeline_mode<synchronous>, transform_indices = @transform_1, window_bounds = array<i64: 192, 32>}, {pipeline_mode = #tpu.pipeline_mode<synchronous>, transform_indices = @transform_2, window_bounds = array<i64: 1, 32>}, {pipeline_mode = #tpu.pipeline_mode<synchronous>, transform_indices = @transform_3, window_bounds = array<i64: 32, 8192>}, {transform_indices = @transform_4, window_bounds = array<i64: 1024, 1>}, {pipeline_mode = #tpu.pipeline_mode<synchronous>, transform_indices = @transform_5, window_bounds = array<i64: 1, 1>}]} {
    %get3A = arith.constant 0 : index
    %get3A_0 = arith.constant 0 : index
    %get3A_1 = vector.load %arg1[%get3A, %get3A_0] : memref<1024x192xf32, #tpu.memory_space<vmem>>, vector<1024x192xf32>
    %get3A_2 = arith.constant 0 : index
    %get3A_3 = arith.constant 0 : index
    %get3A_4 = vector.load %arg2[%get3A_2, %get3A_3] : memref<192x32xf32, #tpu.memory_space<vmem>>, vector<192x32xf32>
    %dot_general3A = arith.constant dense<0.000000e+00> : vector<1024x32xf32>
    %dot_general3A_5 = tpu.matmul %get3A_1, %get3A_4, %dot_general3A {dimension_numbers = #tpu.dot_dimension_numbers<[1], [0], [0], [1], [0, 0, 1, 1], [], []>, transpose_lhs_hint = false} : vector<1024x192xf32>, vector<192x32xf32>, vector<1024x32xf32> -> vector<1024x32xf32>
    %get3A_6 = arith.constant 0 : index
    %get3A_7 = arith.constant 0 : index
    %get3A_8 = vector.load %arg3[%get3A_6, %get3A_7] : memref<1x32xf32, #tpu.memory_space<vmem>>, vector<1x32xf32>
    %add3A = vector.broadcast %get3A_8 : vector<1x32xf32> to vector<1024x32xf32>
    %add3A_9 = arith.addf %dot_general3A_5, %add3A : vector<1024x32xf32>
    %mul3A = arith.constant -2.000000e+00 : f32
    %mul3A_10 = vector.broadcast %mul3A : f32 to vector<1024x32xf32>
    %mul3A_11 = arith.mulf %add3A_9, %mul3A_10 : vector<1024x32xf32>
    %transpose3A = tpu.transpose %add3A_9, [1, 0] : vector<1024x32xf32> -> vector<32x1024xf32>
    %mul3A_12 = arith.mulf %transpose3A, %transpose3A : vector<32x1024xf32>
    %reduce_sum3A = arith.constant dense<0.000000e+00> : vector<1024xf32>
    %reduce_sum3A_13 = vector.multi_reduction <add>, %mul3A_12, %reduce_sum3A [0] : vector<32x1024xf32> to vector<1024xf32>
    %broadcast_in_dim3A = vector.shape_cast %reduce_sum3A_13 : vector<1024xf32> to vector<1x1024xf32>
    %transpose3A_14 = tpu.transpose %broadcast_in_dim3A, [1, 0] : vector<1x1024xf32> -> vector<1024x1xf32>
    %iota3A = tpu.iota {dimensions = array<i32: 1>} : vector<1024x2048xi32>
    %convert_element_type3A = arith.sitofp %iota3A : vector<1024x2048xi32> to vector<1024x2048xf32>
    %broadcast_in_dim3A_15 = arith.constant 0x7F800000 : f32
    %broadcast_in_dim3A_16 = vector.broadcast %broadcast_in_dim3A_15 : f32 to vector<1024x1xf32>
    %broadcast_in_dim3A_17 = arith.constant 0.000000e+00 : f32
    %broadcast_in_dim3A_18 = vector.broadcast %broadcast_in_dim3A_17 : f32 to vector<1024x1xf32>
    %scan3A = arith.constant 0 : i32
    %scan3A_19 = arith.constant 4 : i32
    %scan3A_20 = arith.addi %scan3A, %scan3A_19 : i32
    %scan3A_21 = arith.constant 1 : i32
    %scan3A_22:2 = scf.for %scan3A_43 = %scan3A to %scan3A_20 step %scan3A_21 iter_args(%scan3A_44 = %broadcast_in_dim3A_16, %scan3A_45 = %broadcast_in_dim3A_18) -> (vector<1024x1xf32>, vector<1024x1xf32>)  : i32 {
      %mul3A_46 = arith.constant 2048 : i32
      %mul3A_47 = arith.muli %scan3A_43, %mul3A_46 : i32
      %get3A_48 = arith.constant 0 : index
      %get3A_49 = arith.index_cast %mul3A_47 : i32 to index
      %get3A_50 = vector.load %arg4[%get3A_48, %get3A_49] : memref<32x8192xf32, #tpu.memory_space<vmem>>, vector<32x2048xf32>
      %mul3A_51 = arith.mulf %get3A_50, %get3A_50 : vector<32x2048xf32>
      %reduce_sum3A_52 = arith.constant dense<0.000000e+00> : vector<2048xf32>
      %reduce_sum3A_53 = vector.multi_reduction <add>, %mul3A_51, %reduce_sum3A_52 [0] : vector<32x2048xf32> to vector<2048xf32>
      %broadcast_in_dim3A_54 = vector.shape_cast %reduce_sum3A_53 : vector<2048xf32> to vector<1x2048xf32>
      %dot_general3A_55 = arith.constant dense<0.000000e+00> : vector<1024x2048xf32>
      %dot_general3A_56 = tpu.matmul %mul3A_11, %get3A_50, %dot_general3A_55 {dimension_numbers = #tpu.dot_dimension_numbers<[1], [0], [0], [1], [0, 0, 1, 1], [], []>, transpose_lhs_hint = false} : vector<1024x32xf32>, vector<32x2048xf32>, vector<1024x2048xf32> -> vector<1024x2048xf32>
      %add3A_57 = vector.broadcast %transpose3A_14 : vector<1024x1xf32> to vector<1024x2048xf32>
      %add3A_58 = vector.broadcast %broadcast_in_dim3A_54 : vector<1x2048xf32> to vector<1024x2048xf32>
      %add3A_59 = arith.addf %add3A_57, %add3A_58 : vector<1024x2048xf32>
      %add3A_60 = arith.addf %add3A_59, %dot_general3A_56 : vector<1024x2048xf32>
      %reduce_min3A = arith.constant dense<0x7F800000> : vector<1024xf32>
      %reduce_min3A_61 = vector.multi_reduction <minimumf>, %add3A_60, %reduce_min3A [1] : vector<1024x2048xf32> to vector<1024xf32>
      %broadcast_in_dim3A_62 = vector.shape_cast %reduce_min3A_61 : vector<1024xf32> to vector<1024x1xf32>
      %le3A = vector.broadcast %broadcast_in_dim3A_62 : vector<1024x1xf32> to vector<1024x2048xf32>
      %le3A_63 = arith.cmpf ole, %add3A_60, %le3A : vector<1024x2048xf32>
      %jit3A = arith.constant 8.192000e+03 : f32
      %broadcast_in_dim3A_64 = vector.broadcast %jit3A : f32 to vector<1024x2048xf32>
      %select_n3A = arith.select %le3A_63, %convert_element_type3A, %broadcast_in_dim3A_64 : vector<1024x2048xi1>, vector<1024x2048xf32>
      %reduce_min3A_65 = arith.constant dense<0x7F800000> : vector<1024xf32>
      %reduce_min3A_66 = vector.multi_reduction <minimumf>, %select_n3A, %reduce_min3A_65 [1] : vector<1024x2048xf32> to vector<1024xf32>
      %broadcast_in_dim3A_67 = vector.shape_cast %reduce_min3A_66 : vector<1024xf32> to vector<1024x1xf32>
      %mul3A_68 = arith.constant 2048 : i32
      %mul3A_69 = arith.muli %scan3A_43, %mul3A_68 : i32
      %convert_element_type3A_70 = arith.sitofp %mul3A_69 : i32 to f32
      %add3A_71 = vector.broadcast %convert_element_type3A_70 : f32 to vector<1024x1xf32>
      %add3A_72 = arith.addf %broadcast_in_dim3A_67, %add3A_71 : vector<1024x1xf32>
      %lt3A = arith.cmpf olt, %broadcast_in_dim3A_62, %scan3A_44 : vector<1024x1xf32>
      %select_n3A_73 = arith.select %lt3A, %broadcast_in_dim3A_62, %scan3A_44 : vector<1024x1xi1>, vector<1024x1xf32>
      %select_n3A_74 = arith.select %lt3A, %add3A_72, %scan3A_45 : vector<1024x1xi1>, vector<1024x1xf32>
      scf.yield %select_n3A_73, %select_n3A_74 : vector<1024x1xf32>, vector<1024x1xf32>
    }
    %scan3A_23 = arith.constant 4 : i32
    %convert_element_type3A_24 = arith.fptosi %scan3A_22#1 : vector<1024x1xf32> to vector<1024x1xi32>
    %swap3A = arith.constant 0 : index
    %swap3A_25 = arith.constant 0 : index
    %swap3A_26 = vector.load %arg5[%swap3A, %swap3A_25] : memref<1024x1xi32, #tpu.memory_space<vmem>>, vector<1024x1xi32>
    tpu.vector_store %arg5[%swap3A, %swap3A_25], %convert_element_type3A_24 {strides = array<i32>} : memref<1024x1xi32, #tpu.memory_space<vmem>>, vector<1024x1xi32>,
    %eq3A = arith.constant 0 : i32
    %eq3A_27 = arith.cmpi eq, %arg0, %eq3A : i32
    %convert_element_type3A_28 = arith.extui %eq3A_27 : i1 to i32
    %cond3A = arith.constant 0 : i32
    %cond3A_29 = arith.cmpi ne, %convert_element_type3A_28, %cond3A : i32
    scf.if %cond3A_29 {
      %broadcast_in_dim3A_43 = arith.constant 0.000000e+00 : f32
      %broadcast_in_dim3A_44 = vector.broadcast %broadcast_in_dim3A_43 : f32 to vector<1x1xf32>
      %swap3A_45 = arith.constant 0 : index
      %swap3A_46 = arith.constant 0 : index
      %swap3A_47 = vector.load %arg6[%swap3A_45, %swap3A_46] : memref<1x1xf32, #tpu.memory_space<vmem>>, vector<1x1xf32>
      tpu.vector_store %arg6[%swap3A_45, %swap3A_46], %broadcast_in_dim3A_44 {strides = array<i32>} : memref<1x1xf32, #tpu.memory_space<vmem>>, vector<1x1xf32>,
    } else {
    }
    %get3A_30 = arith.constant 0 : index
    %get3A_31 = arith.constant 0 : index
    %get3A_32 = vector.load %arg6[%get3A_30, %get3A_31] : memref<1x1xf32, #tpu.memory_space<vmem>>, vector<1x1xf32>
    %reduce_sum3A_33 = vector.shape_cast %scan3A_22#0 : vector<1024x1xf32> to vector<1x1024x1xf32>
    %reduce_sum3A_34 = arith.constant dense<0.000000e+00> : vector<1xf32>
    %reduce_sum3A_35 = vector.multi_reduction <add>, %reduce_sum3A_33, %reduce_sum3A_34 [1, 2] : vector<1x1024x1xf32> to vector<1xf32>
    %reduce_sum3A_36 = vector.shape_cast %reduce_sum3A_35 : vector<1xf32> to vector<1x1x1xf32>
    %reduce_sum3A_37 = vector.extract %reduce_sum3A_36[0, 0, 0] : f32 from vector<1x1x1xf32>
    %broadcast_in_dim3A_38 = vector.broadcast %reduce_sum3A_37 : f32 to vector<1x1xf32>
    %add3A_39 = arith.addf %get3A_32, %broadcast_in_dim3A_38 : vector<1x1xf32>
    %swap3A_40 = arith.constant 0 : index
    %swap3A_41 = arith.constant 0 : index
    %swap3A_42 = vector.load %arg6[%swap3A_40, %swap3A_41] : memref<1x1xf32, #tpu.memory_space<vmem>>, vector<1x1xf32>
    tpu.vector_store %arg6[%swap3A_40, %swap3A_41], %add3A_39 {strides = array<i32>} : memref<1x1xf32, #tpu.memory_space<vmem>>, vector<1x1xf32>,
    return
  }
  func.func @transform_0(%arg0: i32) -> (i32, i32) {
    %c0_i32 = arith.constant 0 : i32
    %c0_i32_0 = arith.constant 0 : i32
    return %arg0, %c0_i32 : i32, i32
  }
  func.func @transform_1(%arg0: i32) -> (i32, i32) {
    %c0_i32 = arith.constant 0 : i32
    %c0_i32_0 = arith.constant 0 : i32
    %c0_i32_1 = arith.constant 0 : i32
    return %c0_i32, %c0_i32_0 : i32, i32
  }
  func.func @transform_2(%arg0: i32) -> (i32, i32) {
    %c0_i32 = arith.constant 0 : i32
    %c0_i32_0 = arith.constant 0 : i32
    %c0_i32_1 = arith.constant 0 : i32
    return %c0_i32, %c0_i32_0 : i32, i32
  }
  func.func @transform_3(%arg0: i32) -> (i32, i32) {
    %c0_i32 = arith.constant 0 : i32
    %c0_i32_0 = arith.constant 0 : i32
    %c0_i32_1 = arith.constant 0 : i32
    return %c0_i32, %c0_i32_0 : i32, i32
  }
  func.func @transform_4(%arg0: i32) -> (i32, i32) {
    %c0_i32 = arith.constant 0 : i32
    %c0_i32_0 = arith.constant 0 : i32
    return %arg0, %c0_i32 : i32, i32
  }
  func.func @transform_5(%arg0: i32) -> (i32, i32) {
    %c0_i32 = arith.constant 0 : i32
    %c0_i32_0 = arith.constant 0 : i32
    %c0_i32_1 = arith.constant 0 : i32
    return %c0_i32, %c0_i32_0 : i32, i32
  }
}

module attributes {stable_mosaic.version = 14 : i64} {
  func.func @_finalize_body(%arg0: memref<32x8192xf32, #tpu.memory_space<vmem>>, %arg1: memref<1x1xf32, #tpu.memory_space<vmem>>, %arg2: memref<1x1xf32, #tpu.memory_space<vmem>>, %arg3: memref<1x1xf32, #tpu.memory_space<vmem>>) attributes {dimension_semantics = [], scalar_prefetch = 0 : i64, scratch_operands = 0 : i64, tpu.core_type = #tpu.core_type<tc>} {
    %get3A = arith.constant 0 : index
    %get3A_0 = arith.constant 0 : index
    %get3A_1 = vector.load %arg0[%get3A, %get3A_0] : memref<32x8192xf32, #tpu.memory_space<vmem>>, vector<32x8192xf32>
    %reduce_sum3A = arith.constant dense<0.000000e+00> : vector<8192xf32>
    %reduce_sum3A_2 = vector.multi_reduction <add>, %get3A_1, %reduce_sum3A [0] : vector<32x8192xf32> to vector<8192xf32>
    %broadcast_in_dim3A = vector.shape_cast %reduce_sum3A_2 : vector<8192xf32> to vector<1x8192xf32>
    %mul3A = arith.constant 1.22070313E-4 : f32
    %mul3A_3 = vector.broadcast %mul3A : f32 to vector<1x8192xf32>
    %mul3A_4 = arith.mulf %broadcast_in_dim3A, %mul3A_3 : vector<1x8192xf32>
    %add3A = arith.constant 1.000000e-10 : f32
    %add3A_5 = vector.broadcast %add3A : f32 to vector<1x8192xf32>
    %add3A_6 = arith.addf %mul3A_4, %add3A_5 : vector<1x8192xf32>
    %log3A = math.log %add3A_6 : vector<1x8192xf32>
    %mul3A_7 = arith.mulf %mul3A_4, %log3A : vector<1x8192xf32>
    %reduce_sum3A_8 = vector.shape_cast %mul3A_7 : vector<1x8192xf32> to vector<1x1x8192xf32>
    %reduce_sum3A_9 = arith.constant dense<0.000000e+00> : vector<1xf32>
    %reduce_sum3A_10 = vector.multi_reduction <add>, %reduce_sum3A_8, %reduce_sum3A_9 [1, 2] : vector<1x1x8192xf32> to vector<1xf32>
    %reduce_sum3A_11 = vector.shape_cast %reduce_sum3A_10 : vector<1xf32> to vector<1x1x1xf32>
    %reduce_sum3A_12 = vector.extract %reduce_sum3A_11[0, 0, 0] : f32 from vector<1x1x1xf32>
    %broadcast_in_dim3A_13 = vector.broadcast %reduce_sum3A_12 : f32 to vector<1x1xf32>
    %neg3A = arith.constant 0.000000e+00 : f32
    %neg3A_14 = vector.broadcast %neg3A : f32 to vector<1x1xf32>
    %neg3A_15 = arith.subf %neg3A_14, %broadcast_in_dim3A_13 : vector<1x1xf32>
    %swap3A = arith.constant 0 : index
    %swap3A_16 = arith.constant 0 : index
    %swap3A_17 = vector.load %arg3[%swap3A, %swap3A_16] : memref<1x1xf32, #tpu.memory_space<vmem>>, vector<1x1xf32>
    tpu.vector_store %arg3[%swap3A, %swap3A_16], %neg3A_15 {strides = array<i32>} : memref<1x1xf32, #tpu.memory_space<vmem>>, vector<1x1xf32>,
    %get3A_18 = arith.constant 0 : index
    %get3A_19 = arith.constant 0 : index
    %get3A_20 = vector.load %arg1[%get3A_18, %get3A_19] : memref<1x1xf32, #tpu.memory_space<vmem>>, vector<1x1xf32>
    %mul3A_21 = arith.constant 9.53674316E-7 : f32
    %mul3A_22 = vector.broadcast %mul3A_21 : f32 to vector<1x1xf32>
    %mul3A_23 = arith.mulf %get3A_20, %mul3A_22 : vector<1x1xf32>
    %swap3A_24 = arith.constant 0 : index
    %swap3A_25 = arith.constant 0 : index
    %swap3A_26 = vector.load %arg2[%swap3A_24, %swap3A_25] : memref<1x1xf32, #tpu.memory_space<vmem>>, vector<1x1xf32>
    tpu.vector_store %arg2[%swap3A_24, %swap3A_25], %mul3A_23 {strides = array<i32>} : memref<1x1xf32, #tpu.memory_space<vmem>>, vector<1x1xf32>,
    return
  }
}

</mosaic_0001>

<sc_bundles>
// kernel: kernel.5.cloned.1.call-start
scs
__scs_entry_jumppad:
0x0: {  	(pc) =	sbr.rel $0x88, $3  }
0x1: {  	(tag) =	ssettag $0x0;
	lr =	simm.s32 $0x1  }
0x2: {  	[smem:$0x3F9D] =	sst lr;
	_ =	strace $0xD0000000  }
0x3: {  	_ = 	snop  }
0x4: {  	_ = 	snop  }
0x5: {  	_ = 	snop  }
0x6: {  	_ = 	snop  }
0x7: {  	_ = 	snop  }
__scs_overlays_trampoline_lowered:
0x8: {  	[smem:$0x3FAC] =	sst s0  }
0x9: {  	[smem:$0x3FAD] =	sst s1  }
0xa: {  	[smem:$0x3FAE] =	sst s2  }
0xb: {  	[smem:$0x3FAF] =	sst s3  }
0xc: {  	[smem:$0x3FB0] =	sst s4  }
0xd: {  	[smem:$0x3FB1] =	sst s5  }
0xe: {  	[smem:$0x3FB2] =	sst s6  }
0xf: {  	[smem:$0x3FB3] =	sst s7  }
0x10: {  	[smem:$0x3FB4] =	sst s8  }
0x11: {  	[smem:$0x3FB5] =	sst s9;
	s0 =	simm.s32 @!p0 $0x0  }
0x12: {  	s1 =	sld [smem:$0x3F9B];
	s0 =	simm.s32 @p0 $0x1  }
0x13: {  	[smem:$0x3FB6] =	sst s0;
	s0 =	simm.s32 @!p1 $0x0  }
0x14: {  	s2 =	sld [smem:$0x3F9A];
	s0 =	simm.s32 @p1 $0x1  }
0x15: {  	[smem:$0x3FB7] =	sst s0;
	s0 =	simm.s32 @!p2 $0x0  }
0x16: {  	s3 =	sld [smem:$0x3FDB];
	s0 =	simm.s32 @p2 $0x1  }
0x17: {  	s4 =	simm.s32 $0x1BF5;
	[smem:$0x3FB9] =	sst s0  }
0x18: {  	s0 =	sld [smem:$0x3F9C];
	_ =	swait.ge [sflag:s4], $0x0  }
0x19: {  	s7 =	sld [smem:$0x3F9D]  }
0x1a: {  	s8 =	sadd.s32 $0xFFFFE003, lr  }
0x1b: {  	s9 =	sadd.s32 $0xFFFFFEF7, lr;
	s5 =	simm.s32 $0xFFFFFFFF;
	p2 =	slt.u32 s8, $0xFFFFF086  }
0x1c: {  	p1 =	slt.u32 s9, $0xF7A;
	s5 =	simm.s32 @!p2 $0x0  }
0x1d: {  	s5 =	simm.s32 @p1 $0x1;
	p0 =	seq.s32 s7, s2  }
0x1e: {  	s7 =	smul.u32 @!p0 $0xF7A, s2;
	p2 =	seq.s32 @!p0 s5, $0x0  }
0x1f: {  	s9 =	smul.u32 $0xF7A, s1;
	s8 =	simm.s32 @!p0 $0x1BF5;
	p2 =	por !p2, p0  }
0x20: {  	[sflag:s8] =	ssyncset.s32 @!p0 $0xFFFFF086;
	s6 =	sadd.s32 @!p0 s3, s7;
	s7 =	simm.s32 @!p0 $0x108  }
0x21: {  	s3 =	sadd.s32 s3, s9;
	s6 =	sadd.s32 @!p0 $0x88, s6;
	s7 =	simm.s32 @p2 $0x1082  }
0x22: {  	[simem:s7], [sflag:s8] =	dma.local @!p0 [hbm:s6], $0xF7A  }
0x23: {  	s9 =	sor.u32 $0xD0000000, s2;
	s6 =	simm.s32 $0x108;
	_ =	swait.ge @!p0 [sflag:s8], $0x0  }
0x24: {  	s3 =	sadd.s32 $0x88, s3;
	s6 =	simm.s32 @!p1 $0x1082;
	[sflag:s4] =	ssyncset.s32 $0xFFFFF086  }
0x25: {  	[simem:s6], [sflag:s4] =	dma.local [hbm:s3], $0xF7A  }
0x26: {  	[smem:$0x3F9D] =	sst s1;
	(tag) =	ssettag s2;
	_ =	strace s9  }
0x27: {  	s1 =	sld [smem:$0x3FAD]  }
0x28: {  	s2 =	sld [smem:$0x3FAE]  }
0x29: {  	s4 =	sld [smem:$0x3FB0]  }
0x2a: {  	p0 =	seq.s32 s5, $0x0;
	s5 =	sld [smem:$0x3FB1]  }
0x2b: {  	s6 =	sld [smem:$0x3FB2]  }
0x2c: {  	s7 =	sld [smem:$0x3FB3]  }
0x2d: {  	s3 =	simm.s32 $0x108;
	s8 =	sld [smem:$0x3FB4]  }
0x2e: {  	s3 =	simm.s32 @!p0 $0x1082;
	s9 =	sld [smem:$0x3FB5]  }
0x2f: {  	lr =	sadd.s32 s0, s3;
	s0 =	sld [smem:$0x3FAC]  }
0x30: {  	s3 =	sld [smem:$0x3FAF]  }
0x31: {  	[smem:$0x3FB8] =	sst s10  }
0x32: {  	s10 =	sld [smem:$0x3FB6];
	_ =	sdelay $0x3  }
0x33: {  	p0 =	seq.s32 s10, $0x1;
	s10 =	sld [smem:$0x3FB8];
	_ =	sdelay $0x3  }
0x34: {  	[smem:$0x3FB8] =	sst s10  }
0x35: {  	s10 =	sld [smem:$0x3FB7];
	_ =	sdelay $0x3  }
0x36: {  	p1 =	seq.s32 s10, $0x1;
	s10 =	sld [smem:$0x3FB8];
	_ =	sdelay $0x3  }
0x37: {  	[smem:$0x3FB8] =	sst s10  }
0x38: {  	s10 =	sld [smem:$0x3FB9]  }
0x39: {  	_ = 	snop;
	(pc) =	sbr.ind lr, $3  }
0x3a: {  	_ = 	snop  }
0x3b: {  	_ = 	snop  }
0x3c: {  	p2 =	seq.s32 s10, $0x1;
	s10 =	sld [smem:$0x3FB8]  }
0x3d: {  	_ =	shalt  }
0x3e: {  	_ =	shalt  }
0x3f: {  	_ =	shalt  }
0x40: {  	_ =	shalt  }
0x41: {  	_ =	shalt  }
0x42: {  	_ =	shalt  }
0x43: {  	_ =	shalt  }
0x44: {  	_ =	shalt  }
0x45: {  	_ =	shalt  }
0x46: {  	_ =	shalt  }
0x47: {  	_ =	shalt  }
0x48: {  	_ =	shalt  }
0x49: {  	_ =	shalt  }
0x4a: {  	_ =	shalt  }
0x4b: {  	_ =	shalt  }
0x4c: {  	_ =	shalt  }
0x4d: {  	_ =	shalt  }
0x4e: {  	_ =	shalt  }
0x4f: {  	_ =	shalt  }
0x50: {  	_ =	shalt  }
0x51: {  	_ =	shalt  }
0x52: {  	_ =	shalt  }
0x53: {  	_ =	shalt  }
0x54: {  	_ =	shalt  }
0x55: {  	_ =	shalt  }
0x56: {  	_ =	shalt  }
0x57: {  	_ =	shalt  }
0x58: {  	_ =	shalt  }
0x59: {  	_ =	shalt  }
0x5a: {  	_ =	shalt  }
0x5b: {  	_ =	shalt  }
0x5c: {  	_ =	shalt  }
0x5d: {  	_ =	shalt  }
0x5e: {  	_ =	shalt  }
0x5f: {  	_ =	shalt  }
0x60: {  	_ =	shalt  }
0x61: {  	_ =	shalt  }
0x62: {  	_ =	shalt  }
0x63: {  	_ =	shalt  }
0x64: {  	_ =	shalt  }
0x65: {  	_ =	shalt  }
0x66: {  	_ =	shalt  }
0x67: {  	_ =	shalt  }
0x68: {  	_ =	shalt  }
0x69: {  	_ =	shalt  }
0x6a: {  	_ =	shalt  }
0x6b: {  	_ =	shalt  }
0x6c: {  	_ =	shalt  }
0x6d: {  	_ =	shalt  }
0x6e: {  	_ =	shalt  }
0x6f: {  	_ =	shalt  }
0x70: {  	_ =	shalt  }
0x71: {  	_ =	shalt  }
0x72: {  	_ =	shalt  }
0x73: {  	_ =	shalt  }
0x74: {  	_ =	shalt  }
0x75: {  	_ =	shalt  }
0x76: {  	_ =	shalt  }
0x77: {  	_ =	shalt  }
0x78: {  	_ =	shalt  }
0x79: {  	_ =	shalt  }
0x7a: {  	_ =	shalt  }
0x7b: {  	_ =	shalt  }
0x7c: {  	_ =	shalt  }
0x7d: {  	_ =	shalt  }
0x7e: {  	_ =	shalt  }
0x7f: {  	_ =	shalt  }
0x80: {  	_ =	shalt  }
0x81: {  	_ =	shalt  }
0x82: {  	_ =	shalt  }
0x83: {  	_ =	shalt  }
0x84: {  	_ =	shalt  }
0x85: {  	_ =	shalt  }
0x86: {  	_ =	shalt  }
0x87: {  	_ =	shalt  }
.Lfunc_end0:
.L_simem_size_0:
called_computation_lowered:
.L_overlay_start_0:
0x88: {  	s2 =	sld [smem:$0x3FD9]  }
0x89: {  	s3 =	sld [smem:$0x3FFE];
	_ =	sdelay $0x1  }
0x8a: {  	s1 =	srdreg.scid  }
0x8b: {  	s0 =	sand.u32 $0x1, s1  }
0x8c: {  	s14 =	sshll.u32 s0, $0xA;
	s2 =	sadd.s32 s3, s2  }
0x8d: {  	s2 =	sadd.s32 s2, s14  }
0x8e: {  	[smem:$0x3FC4] =	sst s2  }
0x8f: {  	_ = 	snop  }
0x90: {  	s2 =	sld [smem:$0x3FD0];
	_ =	sdelay $0x2  }
0x91: {  	s15 =	simm.s32 $0xA;
	s4 =	simm.s32 $0x10  }
0x92: {  	[smem:s4], [sflag:s15] =	dma.local [hbm:s2], $0x1  }
0x93: {  	_ =	swait.eq [sflag:s15], $0x1  }
0x94: {  	[sflag:s15] =	ssyncset.done $0x0  }
0x95: {  	[sflag:s15] =	ssyncadd.s32 $0xFFFFFFFF  }
0x96: {  	s16 =	sld [smem:$0x10];
	(tm) =	ssettm $0x1  }
0x97: {  	s17 =	sld [smem:$0x3FFB];
	_ =	sdelay $0x3  }
0x98: {  	_ =	strace s17  }
0x99: {  	s3 =	sld [smem:$0x3FFC];
	_ =	sdelay $0x3  }
0x9a: {  	_ =	strace s3  }
0x9b: {  	s3 =	sld [smem:$0x3FFD];
	_ =	sdelay $0x3  }
0x9c: {  	_ =	strace s3  }
0x9d: {  	_ =	strace $0x8FFFFFFF  }
0x9e: {  	s18 =	sld [smem:$0x3FDB];
	_ =	sdelay $0x1  }
0x9f: {  	s19 =	simm.s32 $_scs_section_size  }
0xa0: {  	s5 =	simm.s32 $_size__tile_overlayer_lowered;
	s6 =	simm.s32 $_tile_overlayer_lowered  }
0xa1: {  	s22 =	simm.s32 $0x1BFF;
	s21 =	sshll.u32 s6, $0x1;
	s3 =	sadd.s32 s19, s18  }
0xa2: {  	s7 =	simm.s32 $0x0;
	s20 =	sshll.u32 s5, $0x1;
	s5 =	sadd.s32 s21, s3  }
0xa3: {  	[timem:s7], [sflag:s22] =	dma.local [hbm:s5], s20  }
0xa4: {  	_ =	swait.ge [sflag:s22], s20  }
0xa5: {  	s4 =	ssub.s32 $0x0, s20;
	[sflag:s22] =	ssyncset.done $0x0  }
0xa6: {  	[sflag:s22] =	ssyncadd.s32 s4;
	_ =	sdelay $0x1  }
0xa7: {  	s23 =	simm.s32 $0x1B8B  }
0xa8: {  	_ =	swait.ge [sflag:s23], $0x1  }
0xa9: {  	[sflag:s23] =	ssyncset.done $0x0  }
0xaa: {  	s25 =	simm.s32 $0x1B8E;
	s24 =	sld [smem:$0x3FFE];
	[sflag:s23] =	ssyncadd.s32 $0xFFFFFFFF  }
0xab: {  	s26 =	simm.s32 $execute0_lowered;
	[smem:$0x3FD2] =	sst s25  }
0xac: {  	s5 =	sshll.u32 s26, $0x1;
	_ =	strace $0x80000046;
	[dreg:$0x1] =	wrdreg $0xFFFFFFFF  }
0xad: {  	s28 =	simm.s32 $_size_execute0_lowered;
	s3 =	sadd.s32 s3, s5;
	[dreg:$0x0] =	wrdreg $0x0  }
0xae: {  	s5 =	sshll.u32 s28, $0x1;
	[dreg:$0x2] =	wrdreg s3  }
0xaf: {  	[dreg:$0x3] =	wrdreg s5  }
0xb0: {  	[dreg:$0x4] =	wrdreg $0xC0  }
0xb1: {  	_ =	task [dreg:s7], $0x5FFFF  }
0xb2: {  	[dreg:$0x1] =	wrdreg $0xFFFFFFFF  }
0xb3: {  	[dreg:$0x0] =	wrdreg $0x60  }
0xb4: {  	[dreg:$0x2] =	wrdreg s24  }
0xb5: {  	[dreg:$0x3] =	wrdreg s16  }
0xb6: {  	[dreg:$0x4] =	wrdreg $0x9  }
0xb7: {  	_ =	task.clear_ibuf [dreg:s7], $0x5FFFF;
	_ =	strace $0x90000046  }
0xb8: {  	s29 =	simm.s32 $0x9;
	_ =	strace $0x80000048  }
0xb9: {  	_ =	swait.ge [sflag:s29], $0x1  }
0xba: {  	[sflag:s29] =	ssyncadd.s32 $0xFFFFFFFF  }
0xbb: {  	_ =	strace $0x90000048  }
0xbc: {  	_ =	sfence  }
0xbd: {  	s30 =	sld [smem:$0x0];
	_ =	sdelay $0x2  }
0xbe: {  	s31 =	sshll.u32 s1, $0xD;
	s1 =	sshrl.u32 s1, $0x2  }
0xbf: {  	s3 =	sand.u32 $0x4000, s31;
	s1 =	sadd.s32 s1, s30  }
0xc0: {  	s0 =	sor.u32 s3, s0;
	s1 =	sshll.u32 s1, $0x11  }
0xc1: {  	s0 =	sor.u32 s1, s0  }
0xc2: {  	s0 =	sadd.s32 $0x8F2B, s0  }
0xc3: {  	[sflag:s0] =	ssyncadd.remote.s32 $0x1  }
0xc4: {  	_ =	sfence.sel $0xFFFF  }
0xc5: {  	[dreg:$0x0] =	wrdreg $0xFFFFFFFF;
	(pc) =	sbr.abs _section_cstart, $3  }
0xc6: {  	[dreg:$0x1] =	wrdreg $0xFFFFFFFF  }
0xc7: {  	_ =	task.clear_ibuf [dreg:s7], $0x2FFFF;
	_ =	strace $0x9FFFFFFF  }
0xc8: {  	(tm) =	ssettm $0x7FFFFFFF  }
0xc9: {  	_ =	shalt  }
tec
execute0_lowered:
.L_overlay_start_1:
0x0: {  	(tag) =	ssettag $0x1  }
0x1: {  	s4 =	rddreg [dreg:$0x0]  }
0x2: {  	s2 =	rddreg [dreg:$0x1]  }
0x3: {  	s0 =	rddreg [dreg:$0x2]  }
0x4: {  	s3 =	simm.s32 $0x0;
	s5 =	srdreg.scid;
	s1 =	stileid.u32  }
0x5: {  	s10 =	simm.s32 $0x80;
	s11 =	simm.s32 $0x100;
	s12 =	simm.s32 $0x1100  }
0x6: {  	s13 =	simm.s32 $0x1;
	s14 =	simm.s32 $0x2100;
	s15 =	simm.s32 $0x0  }
0x7: {  	[smem:$0x7FF] =	sst s3;
	s5 =	sand.u32 $0x1, s5;
	s6 =	sshll.u32 s1, $0x1  }
0x8: {  	_ =	strace $0x80000047;
	s6 =	sor.u32 s5, s6;
	s5 =	ssub.s32 $0x2, s5  }
0x9: {  	s7 =	sshll.u32 s6, $0x5;
	s6 =	sshll.u32 s6, $0xA;
	s8 =	sshrl.u32 s5, $0x1  }
0xa: {  	s7 =	sadd.s32 s7, s4;
	s9 =	sadd.s32 s6, s4;
	s8 =	ssub.s32 s5, s8  }
0xb: {  	s4 =	sadd.s32 $0xE00, s7;
	s5 =	sadd.s32 $0xE10, s7;
	s6 =	sadd.s32 $0x9200, s9  }
0xc: {  	v0 =	vimm.f32 $0.0e+00;
	v1 =	vimm.f32 $1.000000000e+00;
	s7 =	sadd.s32 $0x1200, s9;
	s8 =	smax.u32 s8, $0x1;
	s9 =	simm.s32 $0x2  }
.LBB2_1:
0xd: {  	[tilespmem:s3], [sflag:$0x2] =	stream.linear.gather [hbm4b:s4+s3], $0x80, $0x38;
	[tilespmem:$0x4100] =	vst v63  }
0xe: {  	_ =	swait.ge [sflag:s9], $0x80  }
0xf: {  	[sflag:s9] =	ssyncset.done $0x0  }
0x10: {  	[sflag:s9] =	ssyncadd.s32 $0xFFFFFF80  }
0x11: {  	[tilespmem:s10], [sflag:$0x2] =	stream.linear.gather [hbm4b:s5+s3], $0x80, $0x38;
	[tilespmem:$0x4100] =	vst v63  }
0x12: {  	_ =	swait.ge [sflag:s9], $0x80  }
0x13: {  	[sflag:s9] =	ssyncset.done $0x0  }
0x14: {  	[sflag:s9] =	ssyncadd.s32 $0xFFFFFF80  }
0x15: {  	[tilespmem:s11], [sflag:$0x1] =	stream.indirect.gather [hbm4b:s2+s10], $0x20, s3, s10, $0xb8;
	[tilespmem:$0x4100] =	vst v63  }
0x16: {  	_ = 	snop  }
0x17: {  	[tilespmem:s12], [sflag:$0x1] =	stream.indirect.gather [hbm4b:s2+s10], $0x20, s10, s10, $0xb8;
	[tilespmem:$0x4100] =	vst v63  }
0x18: {  	_ =	swait.ge [sflag:s13], $0x1000  }
0x19: {  	[sflag:s13] =	ssyncset.done $0x0  }
0x1a: {  	[sflag:s13] =	ssyncadd.s32 $0xFFFFF000  }
0x1b: {  	_ =	swait.ge [sflag:s13], $0x1000  }
0x1c: {  	[sflag:s13] =	ssyncset.done $0x0  }
0x1d: {  	[sflag:s13] =	ssyncadd.s32 $0xFFFFF000  }
0x1e: {  	[hbm4b:s6+s3] =	stream.linear.scatter [tilespmem:s11], [sflag:$0x2], $0x2000, $0x38;
	[tilespmem:$0x4100] =	vst v63  }
0x1f: {  	_ =	swait.ge [sflag:s9], $0x2000  }
0x20: {  	[sflag:s9] =	ssyncset.done $0x0  }
0x21: {  	s16 =	simm.s32 $0x40;
	s17 =	simm.s32 $0x0;
	[sflag:s9] =	ssyncadd.s32 $0xFFFFE000  }
.LBB2_2:
0x22: {  	p0 =	sne.s32 s16, $0x7FC0;
	[tilespmem:s17+$0x2100] =	vst v0;
	s17 =	smov.u32 s16;
	s16 =	sadd.s32 $0x40, s16  }
.Ltmp0:
0x23: {  	(pc) =	sbr.rel @p0 .LBB2_2-.Ltmp0, $2  }
0x24: {  	_ =	sdelay $0x2  }
0x25: {  	s17 =	sshra.s32 s17, $0x2  }
0x26: {  	[tilespmem:s17+$0x2100] =	vst v0  }
0x27: {  	v2 =	vld [tilespmem:$0x0];
	_ =	sdelay $0x7  }
0x28: {  	[tilespmem:v2+s14+$0x0] =	vst.idx.add.f32.msk $0xffff, v1  }
0x29: {  	v2 =	vld [tilespmem:$0x10];
	_ =	sdelay $0x7  }
0x2a: {  	[tilespmem:v2+s14+$0x0] =	vst.idx.add.f32.msk $0xffff, v1  }
0x2b: {  	v2 =	vld [tilespmem:$0x20];
	_ =	sdelay $0x7  }
0x2c: {  	[tilespmem:v2+s14+$0x0] =	vst.idx.add.f32.msk $0xffff, v1  }
0x2d: {  	v2 =	vld [tilespmem:$0x30];
	_ =	sdelay $0x7  }
0x2e: {  	[tilespmem:v2+s14+$0x0] =	vst.idx.add.f32.msk $0xffff, v1  }
0x2f: {  	v2 =	vld [tilespmem:$0x40];
	_ =	sdelay $0x7  }
0x30: {  	[tilespmem:v2+s14+$0x0] =	vst.idx.add.f32.msk $0xffff, v1  }
0x31: {  	v2 =	vld [tilespmem:$0x50];
	_ =	sdelay $0x7  }
0x32: {  	[tilespmem:v2+s14+$0x0] =	vst.idx.add.f32.msk $0xffff, v1  }
0x33: {  	v2 =	vld [tilespmem:$0x60];
	_ =	sdelay $0x7  }
0x34: {  	[tilespmem:v2+s14+$0x0] =	vst.idx.add.f32.msk $0xffff, v1  }
0x35: {  	v2 =	vld [tilespmem:$0x70];
	_ =	sdelay $0x7  }
0x36: {  	[tilespmem:v2+s14+$0x0] =	vst.idx.add.f32.msk $0xffff, v1  }
0x37: {  	v2 =	vld [tilespmem:$0x80];
	_ =	sdelay $0x7  }
0x38: {  	[tilespmem:v2+s14+$0x0] =	vst.idx.add.f32.msk $0xffff, v1  }
0x39: {  	v2 =	vld [tilespmem:$0x90];
	_ =	sdelay $0x7  }
0x3a: {  	[tilespmem:v2+s14+$0x0] =	vst.idx.add.f32.msk $0xffff, v1  }
0x3b: {  	v2 =	vld [tilespmem:$0xA0];
	_ =	sdelay $0x7  }
0x3c: {  	[tilespmem:v2+s14+$0x0] =	vst.idx.add.f32.msk $0xffff, v1  }
0x3d: {  	v2 =	vld [tilespmem:$0xB0];
	_ =	sdelay $0x7  }
0x3e: {  	[tilespmem:v2+s14+$0x0] =	vst.idx.add.f32.msk $0xffff, v1  }
0x3f: {  	v2 =	vld [tilespmem:$0xC0];
	_ =	sdelay $0x7  }
0x40: {  	[tilespmem:v2+s14+$0x0] =	vst.idx.add.f32.msk $0xffff, v1  }
0x41: {  	v2 =	vld [tilespmem:$0xD0];
	_ =	sdelay $0x7  }
0x42: {  	[tilespmem:v2+s14+$0x0] =	vst.idx.add.f32.msk $0xffff, v1  }
0x43: {  	v2 =	vld [tilespmem:$0xE0];
	_ =	sdelay $0x7  }
0x44: {  	[tilespmem:v2+s14+$0x0] =	vst.idx.add.f32.msk $0xffff, v1  }
0x45: {  	v2 =	vld [tilespmem:$0xF0];
	_ =	sdelay $0x5  }
0x46: {  	s15 =	sadd.s32 $0x1, s15  }
0x47: {  	p0 =	sne.s32 s15, s8  }
.Ltmp1:
0x48: {  	[tilespmem:v2+s14+$0x0] =	vst.idx.add.f32.msk $0xffff, v1;
	(pc) =	sbr.rel @p0 .LBB2_1-.Ltmp1, $4  }
0x49: {  	[hbm4b:s7+s3] =	stream.linear.scatter [tilespmem:s14], [sflag:$0x2], $0x2000, $0x38;
	[tilespmem:$0x4100] =	vst v63  }
0x4a: {  	_ =	swait.ge [sflag:s9], $0x2000  }
0x4b: {  	[sflag:s9] =	ssyncset.done $0x0  }
0x4c: {  	[sflag:s9] =	ssyncadd.s32 $0xFFFFE000  }
0x4d: {  	_ =	sfence.sel $0x180000  }
0x4e: {  	[bflag:$0x0] =	sbarrier.arrive $0xFFFF  }
0x4f: {  	p0 =	sne.s32 s1, $0x0;
	_ =	strace $0x90000047  }
0x50: {  	s0 =	sadd.s32 @!p0 $0x100000, s0;
	[bflag:$0x2] =	sbarrier.arrive $0xFFFF  }
0x51: {  	[sflag:s0] =	ssyncadd.tile.s32 @!p0 $0x1;
	_ =	shalt  }
.Lfunc_end2:
_tile_overlayer_lowered:
.L_overlay_start_2:
0x52: {  	(tag) =	ssettag $0x2  }
0x53: {  	s0 =	rddreg [dreg:$0x0];
	s2 =	stileid.u32  }
0x54: {  	s1 =	rddreg [dreg:$0x1];
	p0 =	sne.s32 s2, $0x0  }
0x55: {  	s3 =	rddreg [dreg:$0x2];
	[bflag:$0x3] =	sbarrier.arrive $0xFFFF;
	s2 =	simm.s32 @!p0 $0x1C02  }
0x56: {  	[timem:s3], [sflag:s2] =	dma.local @!p0 [hbm:s0], s1  }
0x57: {  	s0 =	simm.s32 @!p0 $0x2  }
0x58: {  	_ =	swait.ge @!p0 [sflag:s0], s1  }
0x59: {  	s1 =	ssub.s32 @!p0 $0x0, s1;
	[sflag:s0] =	ssyncset.done @!p0 $0x0  }
0x5a: {  	[sflag:s0] =	ssyncadd.s32 @!p0 s1  }
0x5b: {  	[bflag:$0x3] =	sbarrier.arrive $0xFFFF  }
0x5c: {  	_ =	shalt  }

</sc_bundles>
